<compile_context>
chip_gen: v7x
topology: tpu7x:2x2x1
jax: 0.10.2.dev20260603
libtpu: 0.0.44.dev20260713+nightly
codegen_flags: <defaults>
</compile_context>

<pallas_src>
import functools

import jax
import jax.numpy as jnp
from jax import lax
from jax.experimental import pallas as pl
from jax.experimental.pallas import tpu as pltpu
from jax.experimental.pallas import tpu_sc as plsc

B = 16384
NTOK = 8 * B
NW = 32
TPW = NTOK // NW
L = 16


def _table_body(aeT, peT, wa1T, ba1, wa2T, ba2, wp1T, bp1, wp2T, bp2, out_ref):
    ba1c = jnp.transpose(ba1[...], (1, 0))
    ba2c = jnp.transpose(ba2[...], (1, 0))
    bp1c = jnp.transpose(bp1[...], (1, 0))
    bp2c = jnp.transpose(bp2[...], (1, 0))
    haT = jnp.maximum(
        jnp.dot(wa1T[...], aeT[...], preferred_element_type=jnp.float32)
        + ba1c, 0.0)
    oaT = jnp.maximum(
        jnp.dot(wa2T[...], haT, preferred_element_type=jnp.float32)
        + ba2c, 0.0)
    hpT = jnp.maximum(
        jnp.dot(wp1T[...], peT[...], preferred_element_type=jnp.float32)
        + bp1c, 0.0)
    opT = jnp.maximum(
        jnp.dot(wp2T[...], hpT, preferred_element_type=jnp.float32)
        + bp2c, 0.0)
    allT = jnp.concatenate([oaT, opT], axis=1)
    out_ref[...] = allT.reshape(8, 128)


_table_call = pl.pallas_call(
    _table_body,
    out_shape=jax.ShapeDtypeStruct((8, 128), jnp.float32),
)


@functools.partial(
    pl.kernel,
    out_type=jax.ShapeDtypeStruct((2 * NTOK,), jnp.float32),
    mesh=plsc.VectorSubcoreMesh(core_axis_name="c", subcore_axis_name="s"),
    scratch_types=[
        pltpu.VMEM((TPW,), jnp.int32),
        pltpu.VMEM((256,), jnp.float32),
        pltpu.VMEM((256,), jnp.float32),
        pltpu.VMEM((2 * TPW,), jnp.float32),
        pltpu.SemaphoreType.DMA,
        pltpu.SemaphoreType.DMA,
        pltpu.SemaphoreType.DMA,
        pltpu.SemaphoreType.DMA,
    ],
    compiler_params=pltpu.CompilerParams(needs_layout_passes=False),
)
def _gather_call(idx_hbm, table_hbm, out_hbm, idx_v, tab0_v, tab1_v, out_v,
                 sem0, sem1, sem2, sem3):
    wid = lax.axis_index("s") * 2 + lax.axis_index("c")
    strm = wid // (NW // 2)
    tb0 = lax.rem(wid, NW // 2) * 8
    pbase = jnp.where(strm == 1, 0, 256).astype(jnp.int32)
    out_blk0 = (1 - strm) * 512

    c0 = pltpu.async_copy(idx_hbm.at[pl.ds(strm * 4 * B + tb0 * 512, TPW)],
                          idx_v, sem0)
    c1 = pltpu.async_copy(table_hbm.at[pl.ds(pbase, 256)], tab0_v, sem1)
    c2 = pltpu.async_copy(table_hbm.at[pl.ds(512 + pbase, 256)], tab1_v, sem2)
    c1.wait()
    c2.wait()
    c0.wait()

    @plsc.parallel_loop(0, TPW // L, unroll=4)
    def _group(b):
        tb = b // 32
        p = lax.rem(b, 32) // 8
        s8 = lax.rem(b, 8)
        fi = idx_v[pl.ds(b * L, L)]
        v0 = plsc.load_gather(tab0_v, [fi])
        v1 = plsc.load_gather(tab1_v, [fi])
        dst = p * 2048 + tb * 256 + s8 * L
        out_v[pl.ds(dst, L)] = v0
        out_v[pl.ds(dst + 128, L)] = v1

    osems = [sem0, sem1, sem2, sem3]
    ocopies = [
        pltpu.async_copy(
            out_v.at[pl.ds(p * 2048, 2048)],
            out_hbm.at[pl.ds((out_blk0 + p * 128 + tb0) * 256, 2048)],
            osems[p])
        for p in range(4)
    ]
    for c in ocopies:
        c.wait()


def kernel(inputs, addr_emb, pc_emb, Wa1, ba1, Wa2, ba2, Wp1, bp1, Wp2, bp2):
    table = _table_call(
        addr_emb.T, pc_emb.T,
        Wa1.T, ba1.reshape(1, 8), Wa2.T, ba2.reshape(1, 2),
        Wp1.T, bp1.reshape(1, 8), Wp2.T, bp2.reshape(1, 2))
    idx_flat = inputs.reshape(2, 4, 128, 128).transpose(0, 2, 1, 3).reshape(-1)
    out_flat = _gather_call(idx_flat, table.reshape(-1))
    return out_flat.reshape(NTOK // 128, 2, 128).transpose(0, 2, 1).reshape(NTOK, 2)

# --- scband reference (transcript-rebuilt; emitter-appended) ---
"""Pipeline reference for scband-byte-encoder-62199716381340 (READ-ONLY COPY).

The authoritative reference and input builder live on the scoring server;
editing this copy changes nothing except your own understanding.
"""

import jax, jax.numpy as jnp
import numpy as np

B = 16384
EMB = 32


def setup_inputs(seed: int = 0) -> dict:
    key = jax.random.key(seed)
    ks = jax.random.split(key, 12)
    # inputs[0] = pc byte-token indices [4, B], inputs[1] = address byte-token indices [4, B]
    inputs = jax.random.randint(ks[0], (2, 4, B), 0, 256, dtype=jnp.int32)
    # Note: original code does [nn.Embedding(256,32)]*4 etc., which SHARES the same
    # module across all 4 byte positions, so there is exactly one table / linear per stream.
    addr_emb = jax.random.normal(ks[1], (256, EMB), dtype=jnp.float32) * 0.1
    pc_emb = jax.random.normal(ks[2], (256, EMB), dtype=jnp.float32) * 0.1
    Wa1 = jax.random.normal(ks[3], (EMB, 8), dtype=jnp.float32) * 0.1
    ba1 = jnp.zeros((8,), dtype=jnp.float32)
    Wa2 = jax.random.normal(ks[4], (8, 2), dtype=jnp.float32) * 0.1
    ba2 = jnp.zeros((2,), dtype=jnp.float32)
    Wp1 = jax.random.normal(ks[5], (EMB, 8), dtype=jnp.float32) * 0.1
    bp1 = jnp.zeros((8,), dtype=jnp.float32)
    Wp2 = jax.random.normal(ks[6], (8, 2), dtype=jnp.float32) * 0.1
    bp2 = jnp.zeros((2,), dtype=jnp.float32)
    return {"inputs": inputs, "addr_emb": addr_emb, "pc_emb": pc_emb,
            "Wa1": Wa1, "ba1": ba1, "Wa2": Wa2, "ba2": ba2,
            "Wp1": Wp1, "bp1": bp1, "Wp2": Wp2, "bp2": bp2}


def _branch(idx, emb, W1, b1, W2, b2):
    # idx: [4, B] -> gather -> [4, B, EMB]
    e = jnp.take(emb, idx, axis=0)
    h = jax.nn.relu(e @ W1 + b1)
    o = jax.nn.relu(h @ W2 + b2)  # [4, B, 2]
    # torch.cat(outs along dim 0) == reshape
    return o.reshape(-1, o.shape[-1])  # [4*B, 2]


def reference(inputs, addr_emb, pc_emb, Wa1, ba1, Wa2, ba2, Wp1, bp1, Wp2, bp2):
    pc_idx = inputs[0]
    addr_idx = inputs[1]
    ad_out = _branch(addr_idx, addr_emb, Wa1, ba1, Wa2, ba2)
    pc_out = _branch(pc_idx, pc_emb, Wp1, bp1, Wp2, bp2)
    lstm_input = jnp.concatenate([ad_out, pc_out], axis=0)  # [8*B, 2]
    return lstm_input

if __name__ == "__main__":
    import jax
    _d = setup_inputs()
    print(jax.jit(kernel)(*tuple(_d.values())))

</pallas_src>

<mosaic_0001>
#map = affine_map<(d0, d1) -> (0)>
module attributes {stable_mosaic.version = 14 : i64} {
  func.func @_gather_call(%arg0: i32, %arg1: i32, %arg2: memref<131072xi32, #tpu.memory_space<hbm>>, %arg3: memref<1024xf32, #tpu.memory_space<hbm>>, %arg4: memref<262144xf32, #tpu.memory_space<hbm>>, %arg5: memref<4096xi32, #tpu.memory_space<vmem>>, %arg6: memref<256xf32, #tpu.memory_space<vmem>>, %arg7: memref<256xf32, #tpu.memory_space<vmem>>, %arg8: memref<8192xf32, #tpu.memory_space<vmem>>, %arg9: memref<!tpu.dma_semaphore, #tpu.memory_space<semaphore_mem>>, %arg10: memref<!tpu.dma_semaphore, #tpu.memory_space<semaphore_mem>>, %arg11: memref<!tpu.dma_semaphore, #tpu.memory_space<semaphore_mem>>, %arg12: memref<!tpu.dma_semaphore, #tpu.memory_space<semaphore_mem>>) attributes {dimension_semantics = [#tpu.dimension_semantics<core_parallel>, #tpu.dimension_semantics<subcore_parallel>], iteration_bounds = array<i64: 2, 16>, scalar_prefetch = 0 : i64, scratch_operands = 8 : i64, tpu.core_type = #tpu.core_type<sc_vector_subcore>, window_params = [{transform_indices = #map}, {transform_indices = #map}, {transform_indices = #map}]} {
    %mul3A = arith.constant 2 : i32
    %mul3A_0 = arith.muli %arg1, %mul3A : i32
    %add3A = arith.addi %mul3A_0, %arg0 : i32
    %jit3A = arith.constant 16 : i32
    %div3A = arith.divsi %add3A, %jit3A : i32
    %sign3A = arith.constant 0 : i32
    %sign3A_1 = arith.cmpi sgt, %add3A, %sign3A : i32
    %sign3A_2 = arith.extui %sign3A_1 : i1 to i32
    %sign3A_3 = arith.constant 0 : i32
    %sign3A_4 = arith.cmpi slt, %add3A, %sign3A_3 : i32
    %sign3A_5 = arith.extui %sign3A_4 : i1 to i32
    %sign3A_6 = arith.subi %sign3A_2, %sign3A_5 : i32
    %sign3A_7 = arith.constant 0 : i32
    %sign3A_8 = arith.cmpi sgt, %jit3A, %sign3A_7 : i32
    %sign3A_9 = arith.extui %sign3A_8 : i1 to i32
    %sign3A_10 = arith.constant 0 : i32
    %sign3A_11 = arith.cmpi slt, %jit3A, %sign3A_10 : i32
    %sign3A_12 = arith.extui %sign3A_11 : i1 to i32
    %sign3A_13 = arith.subi %sign3A_9, %sign3A_12 : i32
    %ne3A = arith.cmpi ne, %sign3A_6, %sign3A_13 : i32
    %rem3A = arith.remsi %add3A, %jit3A : i32
    %ne3A_14 = arith.constant 0 : i32
    %ne3A_15 = arith.cmpi ne, %rem3A, %ne3A_14 : i32
    %and3A = arith.andi %ne3A, %ne3A_15 : i1
    %sub3A = arith.constant 1 : i32
    %sub3A_16 = arith.subi %div3A, %sub3A : i32
    %select_n3A = arith.select %and3A, %sub3A_16, %div3A : i32
    %rem3A_17 = arith.constant 16 : i32
    %rem3A_18 = arith.remsi %add3A, %rem3A_17 : i32
    %mul3A_19 = arith.constant 8 : i32
    %mul3A_20 = arith.muli %rem3A_18, %mul3A_19 : i32
    %eq3A = arith.constant 1 : i32
    %eq3A_21 = arith.cmpi eq, %select_n3A, %eq3A : i32
    %jit3A_22 = arith.constant 0 : i32
    %jit3A_23 = arith.constant 256 : i32
    %select_n3A_24 = arith.select %eq3A_21, %jit3A_22, %jit3A_23 : i32
    %sub3A_25 = arith.constant 1 : i32
    %sub3A_26 = arith.subi %sub3A_25, %select_n3A : i32
    %mul3A_27 = arith.constant 512 : i32
    %mul3A_28 = arith.muli %sub3A_26, %mul3A_27 : i32
    %mul3A_29 = arith.constant 4 : i32
    %mul3A_30 = arith.muli %select_n3A, %mul3A_29 : i32
    %mul3A_31 = arith.constant 16384 : i32
    %mul3A_32 = arith.muli %mul3A_30, %mul3A_31 : i32
    %mul3A_33 = arith.constant 512 : i32
    %mul3A_34 = arith.muli %mul3A_20, %mul3A_33 : i32
    %add3A_35 = arith.addi %mul3A_32, %mul3A_34 : i32
    %dma_start3A = tpu.memref_slice %arg2[%add3A_35] : memref<131072xi32, #tpu.memory_space<hbm>> -> memref<4096xi32, #tpu.memory_space<hbm>>
    %dma_start3A_36 = tpu.memref_slice %arg2[%add3A_35] : memref<131072xi32, #tpu.memory_space<hbm>> -> memref<4096xi32, #tpu.memory_space<hbm>>
    tpu.enqueue_dma source(%dma_start3A_36 : memref<4096xi32, #tpu.memory_space<hbm>>) target(%arg5 : memref<4096xi32, #tpu.memory_space<vmem>>) target_semaphore(%arg9 : memref<!tpu.dma_semaphore, #tpu.memory_space<semaphore_mem>>)
    %dma_start3A_37 = tpu.memref_slice %arg3[%select_n3A_24] : memref<1024xf32, #tpu.memory_space<hbm>> -> memref<256xf32, #tpu.memory_space<hbm>>
    %dma_start3A_38 = tpu.memref_slice %arg3[%select_n3A_24] : memref<1024xf32, #tpu.memory_space<hbm>> -> memref<256xf32, #tpu.memory_space<hbm>>
    tpu.enqueue_dma source(%dma_start3A_38 : memref<256xf32, #tpu.memory_space<hbm>>) target(%arg6 : memref<256xf32, #tpu.memory_space<vmem>>) target_semaphore(%arg10 : memref<!tpu.dma_semaphore, #tpu.memory_space<semaphore_mem>>)
    %add3A_39 = arith.constant 512 : i32
    %add3A_40 = arith.addi %add3A_39, %select_n3A_24 : i32
    %dma_start3A_41 = tpu.memref_slice %arg3[%add3A_40] : memref<1024xf32, #tpu.memory_space<hbm>> -> memref<256xf32, #tpu.memory_space<hbm>>
    %dma_start3A_42 = tpu.memref_slice %arg3[%add3A_40] : memref<1024xf32, #tpu.memory_space<hbm>> -> memref<256xf32, #tpu.memory_space<hbm>>
    tpu.enqueue_dma source(%dma_start3A_42 : memref<256xf32, #tpu.memory_space<hbm>>) target(%arg7 : memref<256xf32, #tpu.memory_space<vmem>>) target_semaphore(%arg11 : memref<!tpu.dma_semaphore, #tpu.memory_space<semaphore_mem>>)
    %dma_wait3A = tpu.memref_slice %arg3[%select_n3A_24] : memref<1024xf32, #tpu.memory_space<hbm>> -> memref<256xf32, #tpu.memory_space<hbm>>
    %dma_wait3A_43 = tpu.memref_slice %arg3[%select_n3A_24] : memref<1024xf32, #tpu.memory_space<hbm>> -> memref<256xf32, #tpu.memory_space<hbm>>
    tpu.wait_dma2 semaphore(%arg10 : memref<!tpu.dma_semaphore, #tpu.memory_space<semaphore_mem>>) src(%dma_wait3A_43 : memref<256xf32, #tpu.memory_space<hbm>>) dst(%arg6 : memref<256xf32, #tpu.memory_space<vmem>>)
    %dma_wait3A_44 = tpu.memref_slice %arg3[%add3A_40] : memref<1024xf32, #tpu.memory_space<hbm>> -> memref<256xf32, #tpu.memory_space<hbm>>
    %dma_wait3A_45 = tpu.memref_slice %arg3[%add3A_40] : memref<1024xf32, #tpu.memory_space<hbm>> -> memref<256xf32, #tpu.memory_space<hbm>>
    tpu.wait_dma2 semaphore(%arg11 : memref<!tpu.dma_semaphore, #tpu.memory_space<semaphore_mem>>) src(%dma_wait3A_45 : memref<256xf32, #tpu.memory_space<hbm>>) dst(%arg7 : memref<256xf32, #tpu.memory_space<vmem>>)
    %dma_wait3A_46 = tpu.memref_slice %arg2[%add3A_35] : memref<131072xi32, #tpu.memory_space<hbm>> -> memref<4096xi32, #tpu.memory_space<hbm>>
    %dma_wait3A_47 = tpu.memref_slice %arg2[%add3A_35] : memref<131072xi32, #tpu.memory_space<hbm>> -> memref<4096xi32, #tpu.memory_space<hbm>>
    tpu.wait_dma2 semaphore(%arg9 : memref<!tpu.dma_semaphore, #tpu.memory_space<semaphore_mem>>) src(%dma_wait3A_47 : memref<4096xi32, #tpu.memory_space<hbm>>) dst(%arg5 : memref<4096xi32, #tpu.memory_space<vmem>>)
    %parallel_loop3A = arith.constant 0 : i32
    %parallel_loop3A_48 = arith.constant 256 : i32
    %parallel_loop3A_49 = arith.constant 1 : i32
    scf.for %parallel_loop3A_118 = %parallel_loop3A to %parallel_loop3A_48 step %parallel_loop3A_49  : i32 {
      %parallel_loop3A_119 = arith.constant 32 : i32
      %parallel_loop3A_120 = arith.divsi %parallel_loop3A_118, %parallel_loop3A_119 : i32
      %parallel_loop3A_121 = arith.constant 0 : i32
      %parallel_loop3A_122 = arith.cmpi sgt, %parallel_loop3A_118, %parallel_loop3A_121 : i32
      %parallel_loop3A_123 = arith.extui %parallel_loop3A_122 : i1 to i32
      %parallel_loop3A_124 = arith.constant 0 : i32
      %parallel_loop3A_125 = arith.cmpi slt, %parallel_loop3A_118, %parallel_loop3A_124 : i32
      %parallel_loop3A_126 = arith.extui %parallel_loop3A_125 : i1 to i32
      %parallel_loop3A_127 = arith.subi %parallel_loop3A_123, %parallel_loop3A_126 : i32
      %parallel_loop3A_128 = arith.constant 0 : i32
      %parallel_loop3A_129 = arith.cmpi sgt, %parallel_loop3A_119, %parallel_loop3A_128 : i32
      %parallel_loop3A_130 = arith.extui %parallel_loop3A_129 : i1 to i32
      %parallel_loop3A_131 = arith.constant 0 : i32
      %parallel_loop3A_132 = arith.cmpi slt, %parallel_loop3A_119, %parallel_loop3A_131 : i32
      %parallel_loop3A_133 = arith.extui %parallel_loop3A_132 : i1 to i32
      %parallel_loop3A_134 = arith.subi %parallel_loop3A_130, %parallel_loop3A_133 : i32
      %parallel_loop3A_135 = arith.cmpi ne, %parallel_loop3A_127, %parallel_loop3A_134 : i32
      %parallel_loop3A_136 = arith.remsi %parallel_loop3A_118, %parallel_loop3A_119 : i32
      %parallel_loop3A_137 = arith.constant 0 : i32
      %parallel_loop3A_138 = arith.cmpi ne, %parallel_loop3A_136, %parallel_loop3A_137 : i32
      %parallel_loop3A_139 = arith.andi %parallel_loop3A_135, %parallel_loop3A_138 : i1
      %parallel_loop3A_140 = arith.constant 1 : i32
      %parallel_loop3A_141 = arith.subi %parallel_loop3A_120, %parallel_loop3A_140 : i32
      %parallel_loop3A_142 = arith.select %parallel_loop3A_139, %parallel_loop3A_141, %parallel_loop3A_120 : i32
      %parallel_loop3A_143 = arith.constant 32 : i32
      %parallel_loop3A_144 = arith.remsi %parallel_loop3A_118, %parallel_loop3A_143 : i32
      %parallel_loop3A_145 = arith.constant 8 : i32
      %parallel_loop3A_146 = arith.divsi %parallel_loop3A_144, %parallel_loop3A_145 : i32
      %parallel_loop3A_147 = arith.constant 0 : i32
      %parallel_loop3A_148 = arith.cmpi sgt, %parallel_loop3A_144, %parallel_loop3A_147 : i32
      %parallel_loop3A_149 = arith.extui %parallel_loop3A_148 : i1 to i32
      %parallel_loop3A_150 = arith.constant 0 : i32
      %parallel_loop3A_151 = arith.cmpi slt, %parallel_loop3A_144, %parallel_loop3A_150 : i32
      %parallel_loop3A_152 = arith.extui %parallel_loop3A_151 : i1 to i32
      %parallel_loop3A_153 = arith.subi %parallel_loop3A_149, %parallel_loop3A_152 : i32
      %parallel_loop3A_154 = arith.constant 0 : i32
      %parallel_loop3A_155 = arith.cmpi sgt, %parallel_loop3A_145, %parallel_loop3A_154 : i32
      %parallel_loop3A_156 = arith.extui %parallel_loop3A_155 : i1 to i32
      %parallel_loop3A_157 = arith.constant 0 : i32
      %parallel_loop3A_158 = arith.cmpi slt, %parallel_loop3A_145, %parallel_loop3A_157 : i32
      %parallel_loop3A_159 = arith.extui %parallel_loop3A_158 : i1 to i32
      %parallel_loop3A_160 = arith.subi %parallel_loop3A_156, %parallel_loop3A_159 : i32
      %parallel_loop3A_161 = arith.cmpi ne, %parallel_loop3A_153, %parallel_loop3A_160 : i32
      %parallel_loop3A_162 = arith.remsi %parallel_loop3A_144, %parallel_loop3A_145 : i32
      %parallel_loop3A_163 = arith.constant 0 : i32
      %parallel_loop3A_164 = arith.cmpi ne, %parallel_loop3A_162, %parallel_loop3A_163 : i32
      %parallel_loop3A_165 = arith.andi %parallel_loop3A_161, %parallel_loop3A_164 : i1
      %parallel_loop3A_166 = arith.constant 1 : i32
      %parallel_loop3A_167 = arith.subi %parallel_loop3A_146, %parallel_loop3A_166 : i32
      %parallel_loop3A_168 = arith.select %parallel_loop3A_165, %parallel_loop3A_167, %parallel_loop3A_146 : i32
      %parallel_loop3A_169 = arith.constant 8 : i32
      %parallel_loop3A_170 = arith.remsi %parallel_loop3A_118, %parallel_loop3A_169 : i32
      %parallel_loop3A_171 = arith.constant 16 : i32
      %parallel_loop3A_172 = arith.muli %parallel_loop3A_118, %parallel_loop3A_171 : i32
      %parallel_loop3A_173 = arith.index_cast %parallel_loop3A_172 : i32 to index
      %parallel_loop3A_174 = tpu.vector_load %arg5[%parallel_loop3A_173] {strides = array<i32>} : memref<4096xi32, #tpu.memory_space<vmem>>, vector<16xi32>,
      %parallel_loop3A_175 = tpu.vector_load_idx %arg6[%parallel_loop3A_174] : memref<256xf32, #tpu.memory_space<vmem>>[vector<16xi32>], vector<16xf32>,
      %parallel_loop3A_176 = tpu.vector_load_idx %arg7[%parallel_loop3A_174] : memref<256xf32, #tpu.memory_space<vmem>>[vector<16xi32>], vector<16xf32>,
      %parallel_loop3A_177 = arith.constant 2048 : i32
      %parallel_loop3A_178 = arith.muli %parallel_loop3A_168, %parallel_loop3A_177 : i32
      %parallel_loop3A_179 = arith.constant 256 : i32
      %parallel_loop3A_180 = arith.muli %parallel_loop3A_142, %parallel_loop3A_179 : i32
      %parallel_loop3A_181 = arith.addi %parallel_loop3A_178, %parallel_loop3A_180 : i32
      %parallel_loop3A_182 = arith.constant 16 : i32
      %parallel_loop3A_183 = arith.muli %parallel_loop3A_170, %parallel_loop3A_182 : i32
      %parallel_loop3A_184 = arith.addi %parallel_loop3A_181, %parallel_loop3A_183 : i32
      %parallel_loop3A_185 = arith.index_cast %parallel_loop3A_184 : i32 to index
      %parallel_loop3A_186 = tpu.vector_load %arg8[%parallel_loop3A_185] {strides = array<i32>} : memref<8192xf32, #tpu.memory_space<vmem>>, vector<16xf32>,
      tpu.vector_store %arg8[%parallel_loop3A_185], %parallel_loop3A_175 {strides = array<i32>} : memref<8192xf32, #tpu.memory_space<vmem>>, vector<16xf32>,
      %parallel_loop3A_187 = arith.constant 128 : i32
      %parallel_loop3A_188 = arith.addi %parallel_loop3A_184, %parallel_loop3A_187 : i32
      %parallel_loop3A_189 = arith.index_cast %parallel_loop3A_188 : i32 to index
      %parallel_loop3A_190 = tpu.vector_load %arg8[%parallel_loop3A_189] {strides = array<i32>} : memref<8192xf32, #tpu.memory_space<vmem>>, vector<16xf32>,
      tpu.vector_store %arg8[%parallel_loop3A_189], %parallel_loop3A_176 {strides = array<i32>} : memref<8192xf32, #tpu.memory_space<vmem>>, vector<16xf32>,
    } {sc.loop_unroll_factor = 4 : i64, sc.parallel_access}
    %add3A_50 = arith.constant 0 : i32
    %add3A_51 = arith.addi %mul3A_28, %add3A_50 : i32
    %add3A_52 = arith.addi %add3A_51, %mul3A_20 : i32
    %mul3A_53 = arith.constant 256 : i32
    %mul3A_54 = arith.muli %add3A_52, %mul3A_53 : i32
    %dma_start3A_55 = arith.constant 0 : i32
    %dma_start3A_56 = tpu.memref_slice %arg8[%dma_start3A_55] : memref<8192xf32, #tpu.memory_space<vmem>> -> memref<2048xf32, #tpu.memory_space<vmem>>
    %dma_start3A_57 = tpu.memref_slice %arg4[%mul3A_54] : memref<262144xf32, #tpu.memory_space<hbm>> -> memref<2048xf32, #tpu.memory_space<hbm>>
    %dma_start3A_58 = tpu.memref_slice %arg4[%mul3A_54] : memref<262144xf32, #tpu.memory_space<hbm>> -> memref<2048xf32, #tpu.memory_space<hbm>>
    %dma_start3A_59 = arith.constant 0 : i32
    %dma_start3A_60 = tpu.memref_slice %arg8[%dma_start3A_59] : memref<8192xf32, #tpu.memory_space<vmem>> -> memref<2048xf32, #tpu.memory_space<vmem>>
    tpu.enqueue_dma source(%dma_start3A_60 : memref<2048xf32, #tpu.memory_space<vmem>>) target(%dma_start3A_58 : memref<2048xf32, #tpu.memory_space<hbm>>) target_semaphore(%arg9 : memref<!tpu.dma_semaphore, #tpu.memory_space<semaphore_mem>>)
    %add3A_61 = arith.constant 128 : i32
    %add3A_62 = arith.addi %mul3A_28, %add3A_61 : i32
    %add3A_63 = arith.addi %add3A_62, %mul3A_20 : i32
    %mul3A_64 = arith.constant 256 : i32
    %mul3A_65 = arith.muli %add3A_63, %mul3A_64 : i32
    %dma_start3A_66 = arith.constant 2048 : i32
    %dma_start3A_67 = tpu.memref_slice %arg8[%dma_start3A_66] : memref<8192xf32, #tpu.memory_space<vmem>> -> memref<2048xf32, #tpu.memory_space<vmem>>
    %dma_start3A_68 = tpu.memref_slice %arg4[%mul3A_65] : memref<262144xf32, #tpu.memory_space<hbm>> -> memref<2048xf32, #tpu.memory_space<hbm>>
    %dma_start3A_69 = tpu.memref_slice %arg4[%mul3A_65] : memref<262144xf32, #tpu.memory_space<hbm>> -> memref<2048xf32, #tpu.memory_space<hbm>>
    %dma_start3A_70 = arith.constant 2048 : i32
    %dma_start3A_71 = tpu.memref_slice %arg8[%dma_start3A_70] : memref<8192xf32, #tpu.memory_space<vmem>> -> memref<2048xf32, #tpu.memory_space<vmem>>
    tpu.enqueue_dma source(%dma_start3A_71 : memref<2048xf32, #tpu.memory_space<vmem>>) target(%dma_start3A_69 : memref<2048xf32, #tpu.memory_space<hbm>>) target_semaphore(%arg10 : memref<!tpu.dma_semaphore, #tpu.memory_space<semaphore_mem>>)
    %add3A_72 = arith.constant 256 : i32
    %add3A_73 = arith.addi %mul3A_28, %add3A_72 : i32
    %add3A_74 = arith.addi %add3A_73, %mul3A_20 : i32
    %mul3A_75 = arith.constant 256 : i32
    %mul3A_76 = arith.muli %add3A_74, %mul3A_75 : i32
    %dma_start3A_77 = arith.constant 4096 : i32
    %dma_start3A_78 = tpu.memref_slice %arg8[%dma_start3A_77] : memref<8192xf32, #tpu.memory_space<vmem>> -> memref<2048xf32, #tpu.memory_space<vmem>>
    %dma_start3A_79 = tpu.memref_slice %arg4[%mul3A_76] : memref<262144xf32, #tpu.memory_space<hbm>> -> memref<2048xf32, #tpu.memory_space<hbm>>
    %dma_start3A_80 = tpu.memref_slice %arg4[%mul3A_76] : memref<262144xf32, #tpu.memory_space<hbm>> -> memref<2048xf32, #tpu.memory_space<hbm>>
    %dma_start3A_81 = arith.constant 4096 : i32
    %dma_start3A_82 = tpu.memref_slice %arg8[%dma_start3A_81] : memref<8192xf32, #tpu.memory_space<vmem>> -> memref<2048xf32, #tpu.memory_space<vmem>>
    tpu.enqueue_dma source(%dma_start3A_82 : memref<2048xf32, #tpu.memory_space<vmem>>) target(%dma_start3A_80 : memref<2048xf32, #tpu.memory_space<hbm>>) target_semaphore(%arg11 : memref<!tpu.dma_semaphore, #tpu.memory_space<semaphore_mem>>)
    %add3A_83 = arith.constant 384 : i32
    %add3A_84 = arith.addi %mul3A_28, %add3A_83 : i32
    %add3A_85 = arith.addi %add3A_84, %mul3A_20 : i32
    %mul3A_86 = arith.constant 256 : i32
    %mul3A_87 = arith.muli %add3A_85, %mul3A_86 : i32
    %dma_start3A_88 = arith.constant 6144 : i32
    %dma_start3A_89 = tpu.memref_slice %arg8[%dma_start3A_88] : memref<8192xf32, #tpu.memory_space<vmem>> -> memref<2048xf32, #tpu.memory_space<vmem>>
    %dma_start3A_90 = tpu.memref_slice %arg4[%mul3A_87] : memref<262144xf32, #tpu.memory_space<hbm>> -> memref<2048xf32, #tpu.memory_space<hbm>>
    %dma_start3A_91 = tpu.memref_slice %arg4[%mul3A_87] : memref<262144xf32, #tpu.memory_space<hbm>> -> memref<2048xf32, #tpu.memory_space<hbm>>
    %dma_start3A_92 = arith.constant 6144 : i32
    %dma_start3A_93 = tpu.memref_slice %arg8[%dma_start3A_92] : memref<8192xf32, #tpu.memory_space<vmem>> -> memref<2048xf32, #tpu.memory_space<vmem>>
    tpu.enqueue_dma source(%dma_start3A_93 : memref<2048xf32, #tpu.memory_space<vmem>>) target(%dma_start3A_91 : memref<2048xf32, #tpu.memory_space<hbm>>) target_semaphore(%arg12 : memref<!tpu.dma_semaphore, #tpu.memory_space<semaphore_mem>>)
    %dma_wait3A_94 = arith.constant 0 : i32
    %dma_wait3A_95 = tpu.memref_slice %arg8[%dma_wait3A_94] : memref<8192xf32, #tpu.memory_space<vmem>> -> memref<2048xf32, #tpu.memory_space<vmem>>
    %dma_wait3A_96 = tpu.memref_slice %arg4[%mul3A_54] : memref<262144xf32, #tpu.memory_space<hbm>> -> memref<2048xf32, #tpu.memory_space<hbm>>
    %dma_wait3A_97 = tpu.memref_slice %arg4[%mul3A_54] : memref<262144xf32, #tpu.memory_space<hbm>> -> memref<2048xf32, #tpu.memory_space<hbm>>
    %dma_wait3A_98 = arith.constant 0 : i32
    %dma_wait3A_99 = tpu.memref_slice %arg8[%dma_wait3A_98] : memref<8192xf32, #tpu.memory_space<vmem>> -> memref<2048xf32, #tpu.memory_space<vmem>>
    tpu.wait_dma2 semaphore(%arg9 : memref<!tpu.dma_semaphore, #tpu.memory_space<semaphore_mem>>) src(%dma_wait3A_99 : memref<2048xf32, #tpu.memory_space<vmem>>) dst(%dma_wait3A_97 : memref<2048xf32, #tpu.memory_space<hbm>>)
    %dma_wait3A_100 = arith.constant 2048 : i32
    %dma_wait3A_101 = tpu.memref_slice %arg8[%dma_wait3A_100] : memref<8192xf32, #tpu.memory_space<vmem>> -> memref<2048xf32, #tpu.memory_space<vmem>>
    %dma_wait3A_102 = tpu.memref_slice %arg4[%mul3A_65] : memref<262144xf32, #tpu.memory_space<hbm>> -> memref<2048xf32, #tpu.memory_space<hbm>>
    %dma_wait3A_103 = tpu.memref_slice %arg4[%mul3A_65] : memref<262144xf32, #tpu.memory_space<hbm>> -> memref<2048xf32, #tpu.memory_space<hbm>>
    %dma_wait3A_104 = arith.constant 2048 : i32
    %dma_wait3A_105 = tpu.memref_slice %arg8[%dma_wait3A_104] : memref<8192xf32, #tpu.memory_space<vmem>> -> memref<2048xf32, #tpu.memory_space<vmem>>
    tpu.wait_dma2 semaphore(%arg10 : memref<!tpu.dma_semaphore, #tpu.memory_space<semaphore_mem>>) src(%dma_wait3A_105 : memref<2048xf32, #tpu.memory_space<vmem>>) dst(%dma_wait3A_103 : memref<2048xf32, #tpu.memory_space<hbm>>)
    %dma_wait3A_106 = arith.constant 4096 : i32
    %dma_wait3A_107 = tpu.memref_slice %arg8[%dma_wait3A_106] : memref<8192xf32, #tpu.memory_space<vmem>> -> memref<2048xf32, #tpu.memory_space<vmem>>
    %dma_wait3A_108 = tpu.memref_slice %arg4[%mul3A_76] : memref<262144xf32, #tpu.memory_space<hbm>> -> memref<2048xf32, #tpu.memory_space<hbm>>
    %dma_wait3A_109 = tpu.memref_slice %arg4[%mul3A_76] : memref<262144xf32, #tpu.memory_space<hbm>> -> memref<2048xf32, #tpu.memory_space<hbm>>
    %dma_wait3A_110 = arith.constant 4096 : i32
    %dma_wait3A_111 = tpu.memref_slice %arg8[%dma_wait3A_110] : memref<8192xf32, #tpu.memory_space<vmem>> -> memref<2048xf32, #tpu.memory_space<vmem>>
    tpu.wait_dma2 semaphore(%arg11 : memref<!tpu.dma_semaphore, #tpu.memory_space<semaphore_mem>>) src(%dma_wait3A_111 : memref<2048xf32, #tpu.memory_space<vmem>>) dst(%dma_wait3A_109 : memref<2048xf32, #tpu.memory_space<hbm>>)
    %dma_wait3A_112 = arith.constant 6144 : i32
    %dma_wait3A_113 = tpu.memref_slice %arg8[%dma_wait3A_112] : memref<8192xf32, #tpu.memory_space<vmem>> -> memref<2048xf32, #tpu.memory_space<vmem>>
    %dma_wait3A_114 = tpu.memref_slice %arg4[%mul3A_87] : memref<262144xf32, #tpu.memory_space<hbm>> -> memref<2048xf32, #tpu.memory_space<hbm>>
    %dma_wait3A_115 = tpu.memref_slice %arg4[%mul3A_87] : memref<262144xf32, #tpu.memory_space<hbm>> -> memref<2048xf32, #tpu.memory_space<hbm>>
    %dma_wait3A_116 = arith.constant 6144 : i32
    %dma_wait3A_117 = tpu.memref_slice %arg8[%dma_wait3A_116] : memref<8192xf32, #tpu.memory_space<vmem>> -> memref<2048xf32, #tpu.memory_space<vmem>>
    tpu.wait_dma2 semaphore(%arg12 : memref<!tpu.dma_semaphore, #tpu.memory_space<semaphore_mem>>) src(%dma_wait3A_117 : memref<2048xf32, #tpu.memory_space<vmem>>) dst(%dma_wait3A_115 : memref<2048xf32, #tpu.memory_space<hbm>>)
    return
  }
}

module attributes {stable_mosaic.version = 14 : i64} {
  func.func @_table_body(%arg0: memref<32x256xf32, #tpu.memory_space<vmem>>, %arg1: memref<32x256xf32, #tpu.memory_space<vmem>>, %arg2: memref<8x32xf32, #tpu.memory_space<vmem>>, %arg3: memref<1x8xf32, #tpu.memory_space<vmem>>, %arg4: memref<2x8xf32, #tpu.memory_space<vmem>>, %arg5: memref<1x2xf32, #tpu.memory_space<vmem>>, %arg6: memref<8x32xf32, #tpu.memory_space<vmem>>, %arg7: memref<1x8xf32, #tpu.memory_space<vmem>>, %arg8: memref<2x8xf32, #tpu.memory_space<vmem>>, %arg9: memref<1x2xf32, #tpu.memory_space<vmem>>, %arg10: memref<8x128xf32, #tpu.memory_space<vmem>>) attributes {dimension_semantics = [], scalar_prefetch = 0 : i64, scratch_operands = 0 : i64, tpu.core_type = #tpu.core_type<tc>} {
    %get3A = arith.constant 0 : index
    %get3A_0 = arith.constant 0 : index
    %get3A_1 = vector.load %arg3[%get3A, %get3A_0] : memref<1x8xf32, #tpu.memory_space<vmem>>, vector<1x8xf32>
    %transpose3A = tpu.transpose %get3A_1, [1, 0] : vector<1x8xf32> -> vector<8x1xf32>
    %get3A_2 = arith.constant 0 : index
    %get3A_3 = arith.constant 0 : index
    %get3A_4 = vector.load %arg5[%get3A_2, %get3A_3] : memref<1x2xf32, #tpu.memory_space<vmem>>, vector<1x2xf32>
    %transpose3A_5 = tpu.transpose %get3A_4, [1, 0] : vector<1x2xf32> -> vector<2x1xf32>
    %get3A_6 = arith.constant 0 : index
    %get3A_7 = arith.constant 0 : index
    %get3A_8 = vector.load %arg7[%get3A_6, %get3A_7] : memref<1x8xf32, #tpu.memory_space<vmem>>, vector<1x8xf32>
    %transpose3A_9 = tpu.transpose %get3A_8, [1, 0] : vector<1x8xf32> -> vector<8x1xf32>
    %get3A_10 = arith.constant 0 : index
    %get3A_11 = arith.constant 0 : index
    %get3A_12 = vector.load %arg9[%get3A_10, %get3A_11] : memref<1x2xf32, #tpu.memory_space<vmem>>, vector<1x2xf32>
    %transpose3A_13 = tpu.transpose %get3A_12, [1, 0] : vector<1x2xf32> -> vector<2x1xf32>
    %get3A_14 = arith.constant 0 : index
    %get3A_15 = arith.constant 0 : index
    %get3A_16 = vector.load %arg2[%get3A_14, %get3A_15] : memref<8x32xf32, #tpu.memory_space<vmem>>, vector<8x32xf32>
    %get3A_17 = arith.constant 0 : index
    %get3A_18 = arith.constant 0 : index
    %get3A_19 = vector.load %arg0[%get3A_17, %get3A_18] : memref<32x256xf32, #tpu.memory_space<vmem>>, vector<32x256xf32>
    %dot_general3A = arith.constant dense<0.000000e+00> : vector<8x256xf32>
    %dot_general3A_20 = tpu.matmul %get3A_16, %get3A_19, %dot_general3A {dimension_numbers = #tpu.dot_dimension_numbers<[1], [0], [0], [1], [0, 0, 1, 1], [], []>, transpose_lhs_hint = false} : vector<8x32xf32>, vector<32x256xf32>, vector<8x256xf32> -> vector<8x256xf32>
    %add3A = vector.broadcast %transpose3A : vector<8x1xf32> to vector<8x256xf32>
    %add3A_21 = arith.addf %dot_general3A_20, %add3A : vector<8x256xf32>
    %max3A = arith.constant 0.000000e+00 : f32
    %max3A_22 = vector.broadcast %max3A : f32 to vector<8x256xf32>
    %max3A_23 = arith.maximumf %add3A_21, %max3A_22 : vector<8x256xf32>
    %get3A_24 = arith.constant 0 : index
    %get3A_25 = arith.constant 0 : index
    %get3A_26 = vector.load %arg4[%get3A_24, %get3A_25] : memref<2x8xf32, #tpu.memory_space<vmem>>, vector<2x8xf32>
    %dot_general3A_27 = arith.constant dense<0.000000e+00> : vector<2x256xf32>
    %dot_general3A_28 = tpu.matmul %get3A_26, %max3A_23, %dot_general3A_27 {dimension_numbers = #tpu.dot_dimension_numbers<[1], [0], [0], [1], [0, 0, 1, 1], [], []>, transpose_lhs_hint = false} : vector<2x8xf32>, vector<8x256xf32>, vector<2x256xf32> -> vector<2x256xf32>
    %add3A_29 = vector.broadcast %transpose3A_5 : vector<2x1xf32> to vector<2x256xf32>
    %add3A_30 = arith.addf %dot_general3A_28, %add3A_29 : vector<2x256xf32>
    %max3A_31 = arith.constant 0.000000e+00 : f32
    %max3A_32 = vector.broadcast %max3A_31 : f32 to vector<2x256xf32>
    %max3A_33 = arith.maximumf %add3A_30, %max3A_32 : vector<2x256xf32>
    %get3A_34 = arith.constant 0 : index
    %get3A_35 = arith.constant 0 : index
    %get3A_36 = vector.load %arg6[%get3A_34, %get3A_35] : memref<8x32xf32, #tpu.memory_space<vmem>>, vector<8x32xf32>
    %get3A_37 = arith.constant 0 : index
    %get3A_38 = arith.constant 0 : index
    %get3A_39 = vector.load %arg1[%get3A_37, %get3A_38] : memref<32x256xf32, #tpu.memory_space<vmem>>, vector<32x256xf32>
    %dot_general3A_40 = arith.constant dense<0.000000e+00> : vector<8x256xf32>
    %dot_general3A_41 = tpu.matmul %get3A_36, %get3A_39, %dot_general3A_40 {dimension_numbers = #tpu.dot_dimension_numbers<[1], [0], [0], [1], [0, 0, 1, 1], [], []>, transpose_lhs_hint = false} : vector<8x32xf32>, vector<32x256xf32>, vector<8x256xf32> -> vector<8x256xf32>
    %add3A_42 = vector.broadcast %transpose3A_9 : vector<8x1xf32> to vector<8x256xf32>
    %add3A_43 = arith.addf %dot_general3A_41, %add3A_42 : vector<8x256xf32>
    %max3A_44 = arith.constant 0.000000e+00 : f32
    %max3A_45 = vector.broadcast %max3A_44 : f32 to vector<8x256xf32>
    %max3A_46 = arith.maximumf %add3A_43, %max3A_45 : vector<8x256xf32>
    %get3A_47 = arith.constant 0 : index
    %get3A_48 = arith.constant 0 : index
    %get3A_49 = vector.load %arg8[%get3A_47, %get3A_48] : memref<2x8xf32, #tpu.memory_space<vmem>>, vector<2x8xf32>
    %dot_general3A_50 = arith.constant dense<0.000000e+00> : vector<2x256xf32>
    %dot_general3A_51 = tpu.matmul %get3A_49, %max3A_46, %dot_general3A_50 {dimension_numbers = #tpu.dot_dimension_numbers<[1], [0], [0], [1], [0, 0, 1, 1], [], []>, transpose_lhs_hint = false} : vector<2x8xf32>, vector<8x256xf32>, vector<2x256xf32> -> vector<2x256xf32>
    %add3A_52 = vector.broadcast %transpose3A_13 : vector<2x1xf32> to vector<2x256xf32>
    %add3A_53 = arith.addf %dot_general3A_51, %add3A_52 : vector<2x256xf32>
    %max3A_54 = arith.constant 0.000000e+00 : f32
    %max3A_55 = vector.broadcast %max3A_54 : f32 to vector<2x256xf32>
    %max3A_56 = arith.maximumf %add3A_53, %max3A_55 : vector<2x256xf32>
    %concatenate3A = tpu.concatenate %max3A_33, %max3A_56 in 1 : vector<2x256xf32>, vector<2x256xf32> -> vector<2x512xf32>
    %reshape3A = vector.shape_cast %concatenate3A : vector<2x512xf32> to vector<8x128xf32>
    %swap3A = arith.constant 0 : index
    %swap3A_57 = arith.constant 0 : index
    %swap3A_58 = vector.load %arg10[%swap3A, %swap3A_57] : memref<8x128xf32, #tpu.memory_space<vmem>>, vector<8x128xf32>
    tpu.vector_store %arg10[%swap3A, %swap3A_57], %reshape3A {strides = array<i32>} : memref<8x128xf32, #tpu.memory_space<vmem>>, vector<8x128xf32>,
    return
  }
}

</mosaic_0001>

<sc_bundles>
// kernel: kernel.4.cloned.1.call-start
scs
__scs_entry_jumppad:
0x0: {  	(pc) =	sbr.rel $0x88, $3  }
0x1: {  	(tag) =	ssettag $0x0;
	lr =	simm.s32 $0x1  }
0x2: {  	[smem:$0x3F96] =	sst lr;
	_ =	strace $0xD0000000  }
0x3: {  	_ = 	snop  }
0x4: {  	_ = 	snop  }
0x5: {  	_ = 	snop  }
0x6: {  	_ = 	snop  }
0x7: {  	_ = 	snop  }
__scs_overlays_trampoline_lowered:
0x8: {  	[smem:$0x3FA5] =	sst s0  }
0x9: {  	[smem:$0x3FA6] =	sst s1  }
0xa: {  	[smem:$0x3FA7] =	sst s2  }
0xb: {  	[smem:$0x3FA8] =	sst s3  }
0xc: {  	[smem:$0x3FA9] =	sst s4  }
0xd: {  	[smem:$0x3FAA] =	sst s5  }
0xe: {  	[smem:$0x3FAB] =	sst s6  }
0xf: {  	[smem:$0x3FAC] =	sst s7  }
0x10: {  	[smem:$0x3FAD] =	sst s8  }
0x11: {  	[smem:$0x3FAE] =	sst s9;
	s0 =	simm.s32 @!p0 $0x0  }
0x12: {  	s1 =	sld [smem:$0x3F94];
	s0 =	simm.s32 @p0 $0x1  }
0x13: {  	[smem:$0x3FAF] =	sst s0;
	s0 =	simm.s32 @!p1 $0x0  }
0x14: {  	s2 =	sld [smem:$0x3F93];
	s0 =	simm.s32 @p1 $0x1  }
0x15: {  	[smem:$0x3FB0] =	sst s0;
	s0 =	simm.s32 @!p2 $0x0  }
0x16: {  	s3 =	sld [smem:$0x3FDB];
	s0 =	simm.s32 @p2 $0x1  }
0x17: {  	s4 =	simm.s32 $0x1BF5;
	[smem:$0x3FB2] =	sst s0  }
0x18: {  	s0 =	sld [smem:$0x3F95];
	_ =	swait.ge [sflag:s4], $0x0  }
0x19: {  	s7 =	sld [smem:$0x3F96]  }
0x1a: {  	s8 =	sadd.s32 $0xFFFFE003, lr  }
0x1b: {  	s9 =	sadd.s32 $0xFFFFFEF7, lr;
	s5 =	simm.s32 $0xFFFFFFFF;
	p2 =	slt.u32 s8, $0xFFFFF086  }
0x1c: {  	p1 =	slt.u32 s9, $0xF7A;
	s5 =	simm.s32 @!p2 $0x0  }
0x1d: {  	s5 =	simm.s32 @p1 $0x1;
	p0 =	seq.s32 s7, s2  }
0x1e: {  	s7 =	smul.u32 @!p0 $0xF7A, s2;
	p2 =	seq.s32 @!p0 s5, $0x0  }
0x1f: {  	s9 =	smul.u32 $0xF7A, s1;
	s8 =	simm.s32 @!p0 $0x1BF5;
	p2 =	por !p2, p0  }
0x20: {  	[sflag:s8] =	ssyncset.s32 @!p0 $0xFFFFF086;
	s6 =	sadd.s32 @!p0 s3, s7;
	s7 =	simm.s32 @!p0 $0x108  }
0x21: {  	s3 =	sadd.s32 s3, s9;
	s6 =	sadd.s32 @!p0 $0x88, s6;
	s7 =	simm.s32 @p2 $0x1082  }
0x22: {  	[simem:s7], [sflag:s8] =	dma.local @!p0 [hbm:s6], $0xF7A  }
0x23: {  	s9 =	sor.u32 $0xD0000000, s2;
	s6 =	simm.s32 $0x108;
	_ =	swait.ge @!p0 [sflag:s8], $0x0  }
0x24: {  	s3 =	sadd.s32 $0x88, s3;
	s6 =	simm.s32 @!p1 $0x1082;
	[sflag:s4] =	ssyncset.s32 $0xFFFFF086  }
0x25: {  	[simem:s6], [sflag:s4] =	dma.local [hbm:s3], $0xF7A  }
0x26: {  	[smem:$0x3F96] =	sst s1;
	(tag) =	ssettag s2;
	_ =	strace s9  }
0x27: {  	s1 =	sld [smem:$0x3FA6]  }
0x28: {  	s2 =	sld [smem:$0x3FA7]  }
0x29: {  	s4 =	sld [smem:$0x3FA9]  }
0x2a: {  	p0 =	seq.s32 s5, $0x0;
	s5 =	sld [smem:$0x3FAA]  }
0x2b: {  	s6 =	sld [smem:$0x3FAB]  }
0x2c: {  	s7 =	sld [smem:$0x3FAC]  }
0x2d: {  	s3 =	simm.s32 $0x108;
	s8 =	sld [smem:$0x3FAD]  }
0x2e: {  	s3 =	simm.s32 @!p0 $0x1082;
	s9 =	sld [smem:$0x3FAE]  }
0x2f: {  	lr =	sadd.s32 s0, s3;
	s0 =	sld [smem:$0x3FA5]  }
0x30: {  	s3 =	sld [smem:$0x3FA8]  }
0x31: {  	[smem:$0x3FB1] =	sst s10  }
0x32: {  	s10 =	sld [smem:$0x3FAF];
	_ =	sdelay $0x3  }
0x33: {  	p0 =	seq.s32 s10, $0x1;
	s10 =	sld [smem:$0x3FB1];
	_ =	sdelay $0x3  }
0x34: {  	[smem:$0x3FB1] =	sst s10  }
0x35: {  	s10 =	sld [smem:$0x3FB0];
	_ =	sdelay $0x3  }
0x36: {  	p1 =	seq.s32 s10, $0x1;
	s10 =	sld [smem:$0x3FB1];
	_ =	sdelay $0x3  }
0x37: {  	[smem:$0x3FB1] =	sst s10  }
0x38: {  	s10 =	sld [smem:$0x3FB2]  }
0x39: {  	_ = 	snop;
	(pc) =	sbr.ind lr, $3  }
0x3a: {  	_ = 	snop  }
0x3b: {  	_ = 	snop  }
0x3c: {  	p2 =	seq.s32 s10, $0x1;
	s10 =	sld [smem:$0x3FB1]  }
0x3d: {  	_ =	shalt  }
0x3e: {  	_ =	shalt  }
0x3f: {  	_ =	shalt  }
0x40: {  	_ =	shalt  }
0x41: {  	_ =	shalt  }
0x42: {  	_ =	shalt  }
0x43: {  	_ =	shalt  }
0x44: {  	_ =	shalt  }
0x45: {  	_ =	shalt  }
0x46: {  	_ =	shalt  }
0x47: {  	_ =	shalt  }
0x48: {  	_ =	shalt  }
0x49: {  	_ =	shalt  }
0x4a: {  	_ =	shalt  }
0x4b: {  	_ =	shalt  }
0x4c: {  	_ =	shalt  }
0x4d: {  	_ =	shalt  }
0x4e: {  	_ =	shalt  }
0x4f: {  	_ =	shalt  }
0x50: {  	_ =	shalt  }
0x51: {  	_ =	shalt  }
0x52: {  	_ =	shalt  }
0x53: {  	_ =	shalt  }
0x54: {  	_ =	shalt  }
0x55: {  	_ =	shalt  }
0x56: {  	_ =	shalt  }
0x57: {  	_ =	shalt  }
0x58: {  	_ =	shalt  }
0x59: {  	_ =	shalt  }
0x5a: {  	_ =	shalt  }
0x5b: {  	_ =	shalt  }
0x5c: {  	_ =	shalt  }
0x5d: {  	_ =	shalt  }
0x5e: {  	_ =	shalt  }
0x5f: {  	_ =	shalt  }
0x60: {  	_ =	shalt  }
0x61: {  	_ =	shalt  }
0x62: {  	_ =	shalt  }
0x63: {  	_ =	shalt  }
0x64: {  	_ =	shalt  }
0x65: {  	_ =	shalt  }
0x66: {  	_ =	shalt  }
0x67: {  	_ =	shalt  }
0x68: {  	_ =	shalt  }
0x69: {  	_ =	shalt  }
0x6a: {  	_ =	shalt  }
0x6b: {  	_ =	shalt  }
0x6c: {  	_ =	shalt  }
0x6d: {  	_ =	shalt  }
0x6e: {  	_ =	shalt  }
0x6f: {  	_ =	shalt  }
0x70: {  	_ =	shalt  }
0x71: {  	_ =	shalt  }
0x72: {  	_ =	shalt  }
0x73: {  	_ =	shalt  }
0x74: {  	_ =	shalt  }
0x75: {  	_ =	shalt  }
0x76: {  	_ =	shalt  }
0x77: {  	_ =	shalt  }
0x78: {  	_ =	shalt  }
0x79: {  	_ =	shalt  }
0x7a: {  	_ =	shalt  }
0x7b: {  	_ =	shalt  }
0x7c: {  	_ =	shalt  }
0x7d: {  	_ =	shalt  }
0x7e: {  	_ =	shalt  }
0x7f: {  	_ =	shalt  }
0x80: {  	_ =	shalt  }
0x81: {  	_ =	shalt  }
0x82: {  	_ =	shalt  }
0x83: {  	_ =	shalt  }
0x84: {  	_ =	shalt  }
0x85: {  	_ =	shalt  }
0x86: {  	_ =	shalt  }
0x87: {  	_ =	shalt  }
.Lfunc_end0:
.L_simem_size_0:
called_computation_lowered:
.L_overlay_start_0:
0x88: {  	s2 =	sld [smem:$0x3FD9]  }
0x89: {  	s3 =	sld [smem:$0x3FFE];
	_ =	sdelay $0x1  }
0x8a: {  	s1 =	srdreg.scid  }
0x8b: {  	s0 =	sand.u32 $0x1, s1  }
0x8c: {  	s17 =	sshll.u32 s0, $0xA;
	s2 =	sadd.s32 s3, s2  }
0x8d: {  	s2 =	sadd.s32 s2, s17  }
0x8e: {  	[smem:$0x3FBD] =	sst s2  }
0x8f: {  	_ = 	snop  }
0x90: {  	s2 =	sld [smem:$0x3FC9]  }
0x91: {  	s18 =	sld [smem:$0x3FD0];
	(tm) =	ssettm $0x1  }
0x92: {  	s4 =	sld [smem:$0x3FFB];
	_ =	sdelay $0x3  }
0x93: {  	_ =	strace s4  }
0x94: {  	s4 =	sld [smem:$0x3FFC];
	_ =	sdelay $0x3  }
0x95: {  	_ =	strace s4  }
0x96: {  	s4 =	sld [smem:$0x3FFD];
	_ =	sdelay $0x3  }
0x97: {  	_ =	strace s4  }
0x98: {  	_ =	strace $0x8FFFFFFF  }
0x99: {  	s19 =	sld [smem:$0x3FDB];
	_ =	sdelay $0x1  }
0x9a: {  	s5 =	simm.s32 $_scs_section_size  }
0x9b: {  	s6 =	simm.s32 $_size__tile_overlayer_lowered;
	s7 =	simm.s32 $_tile_overlayer_lowered  }
0x9c: {  	s22 =	simm.s32 $0x1BFF;
	s21 =	sshll.u32 s7, $0x1;
	s4 =	sadd.s32 s5, s19  }
0x9d: {  	s8 =	simm.s32 $0x0;
	s20 =	sshll.u32 s6, $0x1;
	s6 =	sadd.s32 s21, s4  }
0x9e: {  	[timem:s8], [sflag:s22] =	dma.local [hbm:s6], s20  }
0x9f: {  	_ =	swait.ge [sflag:s22], s20  }
0xa0: {  	s5 =	ssub.s32 $0x0, s20;
	[sflag:s22] =	ssyncset.done $0x0  }
0xa1: {  	[sflag:s22] =	ssyncadd.s32 s5;
	_ =	sdelay $0x1  }
0xa2: {  	s23 =	simm.s32 $0x1B8B  }
0xa3: {  	_ =	swait.ge [sflag:s23], $0x1  }
0xa4: {  	[sflag:s23] =	ssyncset.done $0x0  }
0xa5: {  	s25 =	simm.s32 $0x1B8E;
	s24 =	sld [smem:$0x3FFE];
	[sflag:s23] =	ssyncadd.s32 $0xFFFFFFFF  }
0xa6: {  	s26 =	simm.s32 $execute0_lowered;
	[smem:$0x3FD2] =	sst s25  }
0xa7: {  	s6 =	sshll.u32 s26, $0x1;
	_ =	strace $0x80000046;
	[dreg:$0x1] =	wrdreg $0xFFFFFFFF  }
0xa8: {  	s28 =	simm.s32 $_size_execute0_lowered;
	s4 =	sadd.s32 s4, s6;
	[dreg:$0x0] =	wrdreg $0x0  }
0xa9: {  	s6 =	sshll.u32 s28, $0x1;
	[dreg:$0x2] =	wrdreg s4  }
0xaa: {  	[dreg:$0x3] =	wrdreg s6  }
0xab: {  	[dreg:$0x4] =	wrdreg $0xC0  }
0xac: {  	_ =	task [dreg:s8], $0x5FFFF  }
0xad: {  	[dreg:$0x1] =	wrdreg $0xFFFFFFFF  }
0xae: {  	[dreg:$0x0] =	wrdreg $0x60  }
0xaf: {  	[dreg:$0x2] =	wrdreg s2  }
0xb0: {  	[dreg:$0x3] =	wrdreg s24  }
0xb1: {  	[dreg:$0x4] =	wrdreg s18  }
0xb2: {  	[dreg:$0x5] =	wrdreg $0x9  }
0xb3: {  	_ =	task.clear_ibuf [dreg:s8], $0x6FFFF;
	_ =	strace $0x90000046  }
0xb4: {  	s29 =	simm.s32 $0x9;
	_ =	strace $0x80000048  }
0xb5: {  	_ =	swait.ge [sflag:s29], $0x1  }
0xb6: {  	[sflag:s29] =	ssyncadd.s32 $0xFFFFFFFF  }
0xb7: {  	_ =	strace $0x90000048  }
0xb8: {  	_ =	sfence  }
0xb9: {  	s30 =	sld [smem:$0x0];
	_ =	sdelay $0x2  }
0xba: {  	s31 =	sshll.u32 s1, $0xD;
	s1 =	sshrl.u32 s1, $0x2  }
0xbb: {  	s3 =	sand.u32 $0x4000, s31;
	s1 =	sadd.s32 s1, s30  }
0xbc: {  	s0 =	sor.u32 s3, s0;
	s1 =	sshll.u32 s1, $0x11  }
0xbd: {  	s0 =	sor.u32 s1, s0  }
0xbe: {  	s0 =	sadd.s32 $0x8F2B, s0  }
0xbf: {  	[sflag:s0] =	ssyncadd.remote.s32 $0x1  }
0xc0: {  	_ =	sfence.sel $0xFFFF  }
0xc1: {  	[dreg:$0x0] =	wrdreg $0xFFFFFFFF;
	(pc) =	sbr.abs _section_cstart, $3  }
0xc2: {  	[dreg:$0x1] =	wrdreg $0xFFFFFFFF  }
0xc3: {  	_ =	task.clear_ibuf [dreg:s8], $0x2FFFF;
	_ =	strace $0x9FFFFFFF  }
0xc4: {  	(tm) =	ssettm $0x7FFFFFFF  }
0xc5: {  	_ =	shalt  }
tec
execute0_lowered:
.L_overlay_start_1:
0x0: {  	(tag) =	ssettag $0x1  }
0x1: {  	s4 =	rddreg [dreg:$0x0]  }
0x2: {  	s5 =	rddreg [dreg:$0x1]  }
0x3: {  	s10 =	rddreg [dreg:$0x2];
	s2 =	simm.s32 $0x0  }
0x4: {  	s0 =	stileid.u32;
	s3 =	srdreg.scid;
	s8 =	simm.s32 $0x20  }
0x5: {  	s14 =	simm.s32 $0x2;
	s15 =	simm.s32 $0x3;
	s16 =	simm.s32 $0x1  }
0x6: {  	s21 =	simm.s32 $0x4;
	s22 =	simm.s32 $0x0;
	[smem:$0x7FF] =	sst s2  }
0x7: {  	s6 =	sshrl.u32 s0, $0x3;
	s7 =	sshll.u32 s0, $0x1;
	s9 =	sand.u32 $0x1, s3  }
0x8: {  	s3 =	simm.s32 $0x20;
	_ =	strace $0x80000047;
	p0 =	seq.s32 s6, $0x0  }
0x9: {  	s7 =	sand.u32 $0xE, s7;
	s12 =	sshll.u32 s6, $0x9;
	s26 =	sshll.u32 s6, $0xD  }
0xa: {  	s8 =	simm.s32 @!p0 $0x0;
	s7 =	sor.u32 s9, s7;
	s9 =	ssub.s32 $0x2, s9  }
0xb: {  	s4 =	sadd.s32 s4, s26;
	s11 =	sshll.u32 s7, $0x3;
	s8 =	sadd.s32 s8, s5  }
0xc: {  	s24 =	sshrl.u32 s9, $0x1;
	s7 =	sshll.u32 s7, $0x9;
	s11 =	ssub.s32 s11, s12  }
0xd: {  	s25 =	ssub.s32 s9, s24;
	s4 =	sadd.s32 s7, s4;
	s5 =	sadd.s32 $0x1A00, s8  }
0xe: {  	s12 =	simm.s32 $0x1000;
	s28 =	sshll.u32 s11, $0x5;
	s30 =	sshll.u32 s11, $0x8  }
0xf: {  	s6 =	sadd.s32 $0x4000, s28;
	s31 =	sadd.s32 $0x28000, s30;
	s11 =	sadd.s32 $0x30000, s30  }
0x10: {  	s29 =	sand.u32 $0x1FFFCF00, s6;
	s6 =	sadd.s32 $0x1A40, s8;
	s8 =	sadd.s32 $0x38000, s30  }
0x11: {  	s9 =	sshrl.u32 s31, $0x3;
	s11 =	sshrl.u32 s11, $0x3;
	s7 =	sadd.s32 s10, s29  }
0x12: {  	s13 =	sshrl.u32 s8, $0x3;
	s8 =	sadd.s32 s10, s9;
	s9 =	sadd.s32 s10, s11  }
0x13: {  	s11 =	smax.u32 s25, $0x1;
	s10 =	sadd.s32 s10, s13;
	s13 =	simm.s32 $0x1100  }
.LBB2_1:
0x14: {  	[tilespmem:s2], [sflag:$0x1] =	stream.linear.gather [hbm4b:s4+s2], $0x1000, $0x38;
	[tilespmem:$0x3200] =	vst v63  }
0x15: {  	_ = 	snop  }
0x16: {  	[tilespmem:s12], [sflag:$0x2] =	stream.linear.gather [hbm4b:s5+s2], $0x100, $0x38;
	[tilespmem:$0x3200] =	vst v63  }
0x17: {  	_ = 	snop  }
0x18: {  	[tilespmem:s13], [sflag:$0x3] =	stream.linear.gather [hbm4b:s6+s2], $0x100, $0x38;
	[tilespmem:$0x3200] =	vst v63  }
0x19: {  	_ =	swait.ge [sflag:s14], $0x100  }
0x1a: {  	[sflag:s14] =	ssyncset.done $0x0  }
0x1b: {  	[sflag:s14] =	ssyncadd.s32 $0xFFFFFF00  }
0x1c: {  	_ =	swait.ge [sflag:s15], $0x100  }
0x1d: {  	[sflag:s15] =	ssyncset.done $0x0  }
0x1e: {  	[sflag:s15] =	ssyncadd.s32 $0xFFFFFF00  }
0x1f: {  	_ =	swait.ge [sflag:s16], $0x1000  }
0x20: {  	[sflag:s16] =	ssyncset.done $0x0  }
0x21: {  	[sflag:s16] =	ssyncadd.s32 $0xFFFFF000  }
0x22: {  	v0 =	vld [tilespmem:s3+$0x10]  }
0x23: {  	v1 =	vld [tilespmem:s3+$0xFFFFFFF0];
	_ =	sdelay $0x1  }
0x24: {  	v3 =	vld [tilespmem:s3+$0x0];
	_ =	sdelay $0x1  }
0x25: {  	s24 =	simm.s32 $0x60;
	v4 =	vld [tilespmem:s3+$0xFFFFFFE0]  }
0x26: {  	v2 =	vld [tilespmem:s24+$0x10]  }
0x27: {  	v11 =	vld [tilespmem:s24+$0xFFFFFFF0]  }
0x28: {  	v5 =	vld.idx.msk [tilespmem:v0+s13+$0x0], $0xffff  }
0x29: {  	v6 =	vld.idx.msk [tilespmem:v1+s12+$0x0], $0xffff  }
0x2a: {  	v9 =	vld.idx.msk [tilespmem:v1+s13+$0x0], $0xffff  }
0x2b: {  	v10 =	vld.idx.msk [tilespmem:v3+s12+$0x0], $0xffff  }
0x2c: {  	s23 =	sand.u32 $0x1800, s2;
	s25 =	sand.u32 $0x700, s2;
	v12 =	vld.idx.msk [tilespmem:v0+s12+$0x0], $0xffff  }
0x2d: {  	s26 =	simm.s32 $0x30;
	s29 =	simm.s32 $0x10;
	s25 =	sor.u32 s25, s23;
	v0 =	vld [tilespmem:s24+$0x0]  }
0x2e: {  	s30 =	simm.s32 $0x20;
	s26 =	sand.u32 $0x70, s26;
	s28 =	sadd.s32 $0x1280, s25;
	v1 =	vld [tilespmem:s24+$0xFFFFFFE0]  }
0x2f: {  	s29 =	sand.u32 $0x50, s29;
	s25 =	sadd.s32 $0x1200, s25;
	s17 =	sor.u32 s26, s28;
	v13 =	vld.idx.msk [tilespmem:v4+s12+$0x0], $0xffff  }
0x30: {  	s18 =	simm.s32 $0x0;
	s30 =	sand.u32 $0x60, s30;
	s31 =	sor.u32 s29, s25;
	v7 =	vld.idx.msk [tilespmem:v4+s13+$0x0], $0xffff;
	[tilespmem:s17+$0x0] =	vst v5  }
0x31: {  	s23 =	simm.s32 $0x4;
	s19 =	sor.u32 s30, s25;
	s24 =	sand.u32 $0x40, s18;
	v8 =	vld.idx.msk [tilespmem:v3+s13+$0x0], $0xffff;
	[tilespmem:s31+$0x0] =	vst v6  }
0x32: {  	s30 =	sor.u32 s30, s28;
	v4 =	vld.idx.msk [tilespmem:v11+s12+$0x0], $0xffff;
	s0 =	sor.u32 s24, s25;
	s31 =	sor.u32 s29, s28;
	[tilespmem:s19+$0x0] =	vst v10  }
0x33: {  	v6 =	vld.idx.msk [tilespmem:v2+s13+$0x0], $0xffff;
	[tilespmem:s31+$0x0] =	vst v9;
	s31 =	sor.u32 s26, s25;
	s25 =	simm.s32 $0x20;
	s26 =	simm.s32 $0x400  }
0x34: {  	s29 =	sor.u32 s24, s28;
	v5 =	vld.idx.msk [tilespmem:v11+s13+$0x0], $0xffff;
	[tilespmem:s0+$0x0] =	vst v13;
	s20 =	sand.u32 $0x1800, s26;
	s28 =	sand.u32 $0x700, s25  }
0x35: {  	s24 =	simm.s32 $0x70;
	[tilespmem:s31+$0x0] =	vst v12;
	s31 =	sor.u32 s28, s20;
	v3 =	vld.idx.msk [tilespmem:v0+s12+$0x0], $0xffff;
	s28 =	simm.s32 $0xA0  }
.LBB2_2:
0x36: {  	v9 =	vld [tilespmem:s28+$0x10];
	s23 =	sadd.s32 $0x4, s23;
	s0 =	sadd.s32 $0x1280, s31;
	s1 =	sand.u32 $0x70, s24;
	[tilespmem:s29+$0x0] =	vst v7  }
0x37: {  	s29 =	sadd.s32 $0xFFFFFFD0, s24;
	v10 =	vld [tilespmem:s28+$0xFFFFFFF0];
	p0 =	slt.u32 s23, $0xFC;
	s17 =	sor.u32 s1, s0;
	[tilespmem:s30+$0x0] =	vst v8  }
0x38: {  	s31 =	sadd.s32 $0x1200, s31;
	s18 =	sadd.s32 $0xFFFFFFF0, s24;
	s30 =	sadd.s32 $0xFFFFFFE0, s24;
	v11 =	vld.idx.msk [tilespmem:v2+s12+$0x0], $0xffff;
	[tilespmem:s17+$0x0] =	vst v6  }
0x39: {  	s18 =	sand.u32 $0x60, s18;
	s17 =	sand.u32 $0x40, s29;
	s30 =	sand.u32 $0x50, s30;
	v12 =	vld [tilespmem:s28+$0x0]  }
0x3a: {  	s19 =	sor.u32 s17, s31;
	s29 =	sor.u32 s17, s0;
	s17 =	sor.u32 s30, s31;
	v13 =	vld [tilespmem:s28+$0xFFFFFFE0]  }
0x3b: {  	s20 =	sor.u32 s18, s31;
	v14 =	vld.idx.msk [tilespmem:v1+s12+$0x0], $0xffff;
	[tilespmem:s17+$0x0] =	vst v4;
	s17 =	sor.u32 s30, s0;
	s30 =	sor.u32 s18, s0;
	v2 =	vmov v9  }
0x3c: {  	s0 =	sor.u32 s1, s31;
	v7 =	vld.idx.msk [tilespmem:v1+s13+$0x0], $0xffff;
	[tilespmem:s17+$0x0] =	vst v5  }
.Ltmp0:
0x3d: {  	v8 =	vld.idx.msk [tilespmem:v0+s13+$0x0], $0xffff;
	[tilespmem:s20+$0x0] =	vst v3;
	(pc) =	sbr.rel @p0 .LBB2_2-.Ltmp0, $4  }
0x3e: {  	v6 =	vld.idx.msk [tilespmem:v9+s13+$0x0], $0xffff;
	[tilespmem:s0+$0x0] =	vst v11;
	v0 =	vmov v12  }
0x3f: {  	s25 =	sadd.s32 $0x20, s25;
	s26 =	sadd.s32 $0x400, s26;
	v4 =	vld.idx.msk [tilespmem:v10+s12+$0x0], $0xffff;
	v1 =	vmov v13  }
0x40: {  	s1 =	sand.u32 $0x700, s25;
	s0 =	sand.u32 $0x1800, s26;
	v5 =	vld.idx.msk [tilespmem:v10+s13+$0x0], $0xffff  }
0x41: {  	s24 =	sadd.s32 $0x40, s24;
	s28 =	sadd.s32 $0x40, s28;
	s31 =	sor.u32 s1, s0;
	v3 =	vld.idx.msk [tilespmem:v12+s12+$0x0], $0xffff;
	[tilespmem:s19+$0x0] =	vst v14  }
0x42: {  	_ =	sdelay $0x2  }
0x43: {  	s0 =	sadd.s32 $0x1280, s31;
	s1 =	sand.u32 $0x70, s24;
	[tilespmem:s29+$0x0] =	vst v7;
	s17 =	sadd.s32 $0xFFFFFFE0, s24  }
0x44: {  	[tilespmem:s30+$0x0] =	vst v8;
	s19 =	sadd.s32 $0x1200, s31;
	v2 =	vld.idx.msk [tilespmem:v2+s12+$0x0], $0xffff;
	s18 =	sor.u32 s1, s0;
	s17 =	sand.u32 $0x50, s17  }
0x45: {  	s20 =	sadd.s32 $0xFFFFFFF0, s24;
	v62 =	vld.idx.msk [tilespmem:v1+s12+$0x0], $0xffff;
	[tilespmem:s18+$0x0] =	vst v6;
	s23 =	sor.u32 s17, s19  }
0x46: {  	v0 =	vld.idx.msk [tilespmem:v0+s13+$0x0], $0xffff;
	s20 =	sand.u32 $0x60, s20;
	s17 =	sor.u32 s17, s0;
	[tilespmem:s23+$0x0] =	vst v4  }
0x47: {  	v63 =	vld.idx.msk [tilespmem:v1+s13+$0x0], $0xffff;
	s24 =	sadd.s32 $0xFFFFFFD0, s24;
	s23 =	sor.u32 s20, s19;
	[tilespmem:s17+$0x0] =	vst v5  }
0x48: {  	s25 =	sand.u32 $0x40, s24;
	s1 =	sor.u32 s1, s19;
	[tilespmem:s23+$0x0] =	vst v3  }
0x49: {  	s18 =	sor.u32 s25, s19;
	[tilespmem:s1+$0x0] =	vst v2  }
0x4a: {  	s26 =	sor.u32 s25, s0;
	s0 =	sor.u32 s20, s0;
	[tilespmem:s18+$0x0] =	vst v62  }
0x4b: {  	[tilespmem:s0+$0x0] =	vst v0  }
0x4c: {  	s28 =	simm.s32 $0x1200;
	[tilespmem:s26+$0x0] =	vst v63  }
0x4d: {  	[hbm4b:s7+s2] =	stream.linear.scatter [tilespmem:s28], [sflag:$0x1], $0x800, $0x38;
	[tilespmem:$0x3200] =	vst v63  }
0x4e: {  	s29 =	simm.s32 $0x1A00  }
0x4f: {  	[hbm4b:s8+s2] =	stream.linear.scatter [tilespmem:s29], [sflag:$0x2], $0x800, $0x38;
	[tilespmem:$0x3200] =	vst v63  }
0x50: {  	s30 =	simm.s32 $0x2200  }
0x51: {  	[hbm4b:s9+s2] =	stream.linear.scatter [tilespmem:s30], [sflag:$0x3], $0x800, $0x38;
	[tilespmem:$0x3200] =	vst v63  }
0x52: {  	s31 =	simm.s32 $0x2A00  }
0x53: {  	[hbm4b:s10+s2] =	stream.linear.scatter [tilespmem:s31], [sflag:$0x4], $0x800, $0x38;
	[tilespmem:$0x3200] =	vst v63  }
0x54: {  	_ =	swait.ge [sflag:s16], $0x800  }
0x55: {  	[sflag:s16] =	ssyncset.done $0x0  }
0x56: {  	[sflag:s16] =	ssyncadd.s32 $0xFFFFF800  }
0x57: {  	_ =	swait.ge [sflag:s14], $0x800  }
0x58: {  	[sflag:s14] =	ssyncset.done $0x0  }
0x59: {  	s22 =	sadd.s32 $0x1, s22;
	[sflag:s14] =	ssyncadd.s32 $0xFFFFF800  }
0x5a: {  	p0 =	sne.s32 s22, s11;
	_ =	swait.ge [sflag:s15], $0x800  }
.Ltmp1:
0x5b: {  	[sflag:s15] =	ssyncset.done $0x0;
	(pc) =	sbr.rel @p0 .LBB2_1-.Ltmp1, $4  }
0x5c: {  	[sflag:s15] =	ssyncadd.s32 $0xFFFFF800  }
0x5d: {  	_ =	swait.ge [sflag:s21], $0x800  }
0x5e: {  	[sflag:s21] =	ssyncset.done $0x0  }
0x5f: {  	[sflag:s21] =	ssyncadd.s32 $0xFFFFF800  }
0x60: {  	_ =	sfence.sel $0x180000  }
0x61: {  	[bflag:$0x0] =	sbarrier.arrive $0xFFFF  }
0x62: {  	_ =	strace $0x90000047  }
0x63: {  	s0 =	stileid.u32;
	[bflag:$0x2] =	sbarrier.arrive $0xFFFF  }
0x64: {  	p0 =	sne.s32 s0, $0x0;
	s0 =	rddreg [dreg:$0x3]  }
0x65: {  	s0 =	sadd.s32 @!p0 $0x100000, s0  }
0x66: {  	[sflag:s0] =	ssyncadd.tile.s32 @!p0 $0x1;
	_ =	shalt  }
.Lfunc_end2:
_tile_overlayer_lowered:
.L_overlay_start_2:
0x67: {  	(tag) =	ssettag $0x2  }
0x68: {  	s0 =	rddreg [dreg:$0x0];
	s2 =	stileid.u32  }
0x69: {  	s1 =	rddreg [dreg:$0x1];
	p0 =	sne.s32 s2, $0x0  }
0x6a: {  	s3 =	rddreg [dreg:$0x2];
	[bflag:$0x3] =	sbarrier.arrive $0xFFFF;
	s2 =	simm.s32 @!p0 $0x1C05  }
0x6b: {  	[timem:s3], [sflag:s2] =	dma.local @!p0 [hbm:s0], s1  }
0x6c: {  	s0 =	simm.s32 @!p0 $0x5  }
0x6d: {  	_ =	swait.ge @!p0 [sflag:s0], s1  }
0x6e: {  	s1 =	ssub.s32 @!p0 $0x0, s1;
	[sflag:s0] =	ssyncset.done @!p0 $0x0  }
0x6f: {  	[sflag:s0] =	ssyncadd.s32 @!p0 s1  }
0x70: {  	[bflag:$0x3] =	sbarrier.arrive $0xFFFF  }
0x71: {  	_ =	shalt  }

</sc_bundles>
